<compile_context>
chip_gen: v7x
topology: tpu7x:2x2x1
jax: 0.10.2.dev20260603
libtpu: 0.0.44.dev20260713+nightly
codegen_flags: <defaults>
</compile_context>

<pallas_src>
import functools

import jax
import jax.numpy as jnp
from jax import lax
from jax.experimental import pallas as pl
from jax.experimental.pallas import tpu as pltpu
from jax.experimental.pallas import tpu_sc as plsc

_D = 64
_DO = 128
_NC, _NS = 2, 16
_NW = _NC * _NS
_CHUNK = 400
_NBUF = 4
_P = 2

_MESH = plsc.VectorSubcoreMesh(
    core_axis_name="c", subcore_axis_name="s",
    num_cores=_NC, num_subcores=_NS)


@jax.jit
def _gather(idx_flat, table):
    total = idx_flat.shape[0]
    per_w = total // _NW
    nchunk = per_w // _CHUNK
    assert per_w % _CHUNK == 0 and nchunk % _NBUF == 0


    @functools.partial(
        pl.kernel,
        out_type=jax.ShapeDtypeStruct((total, _DO), jnp.float32),
        mesh=_MESH,
        scratch_types=(
            [pltpu.VMEM((per_w,), jnp.int32)]
            + [pltpu.VMEM((_CHUNK, _D), jnp.float32) for _ in range(_NBUF)]
            + [pltpu.SemaphoreType.DMA for _ in range(2 * _NBUF)]
        ),
        compiler_params=pltpu.CompilerParams(use_tc_tiling_on_sc=False),
    )
    def k(idx_hbm, table_hbm, out_hbm, idx_all, *rest):
        bufs = rest[:_NBUF]
        gsem = rest[_NBUF:2 * _NBUF]
        wsem = rest[2 * _NBUF:]

        wid = lax.axis_index("s") * _NC + lax.axis_index("c")
        base = wid * per_w
        pltpu.sync_copy(idx_hbm.at[pl.ds(base, per_w)], idx_all)

        def idx_slc(c):
            return idx_all.at[pl.ds(c * _CHUNK, _CHUNK)]

        def out_slc(c):
            return out_hbm.at[pl.ds(base + c * _CHUNK, _CHUNK), pl.ds(0, _D)]

        def start_gather(c, b):
            pltpu.async_copy(table_hbm.at[idx_slc(c)], bufs[b], gsem[b])

        def wait_gather(c, b):
            pltpu.make_async_copy(
                table_hbm.at[idx_slc(c)], bufs[b], gsem[b]).wait()

        def start_wb(c, b):
            pltpu.async_copy(bufs[b], out_slc(c), wsem[b])

        def wait_wb(c, b):
            pltpu.make_async_copy(bufs[b], out_slc(c), wsem[b]).wait()

        for c0 in range(_P):
            start_gather(c0, c0 % _NBUF)

        @pl.loop(0, nchunk, step=_NBUF)
        def _(g):
            for b in range(_NBUF):
                c = g + b
                bb = (b + _P) % _NBUF

                @pl.when(c + _P < nchunk)
                def _():
                    @pl.when(c + _P >= _NBUF)
                    def _():
                        wait_wb(c + _P - _NBUF, bb)
                    start_gather(c + _P, bb)

                wait_gather(c, b)
                start_wb(c, b)

        for t in range(_NBUF):
            wait_wb(nchunk - _NBUF + t, t)

    return k(idx_flat, table)


def kernel(pos_indicies, embed_weight):
    idx = pos_indicies.astype(jnp.int32).reshape(-1)
    d = embed_weight.shape[-1]
    out = _gather(idx, embed_weight)
    return out[:, :d].reshape(pos_indicies.shape + (d,))

# --- scband reference (transcript-rebuilt; emitter-appended) ---
"""Pipeline reference for scband-traj-encoder-80204219285673 (READ-ONLY COPY).

The authoritative reference and input builder live on the scoring server;
editing this copy changes nothing except your own understanding.
"""

import jax, jax.numpy as jnp
import numpy as np

N_TRAJ = 1000000
D_MODEL = 64

def setup_inputs(seed: int = 0) -> dict:
    key = jax.random.key(seed)
    k_idx, k_w = jax.random.split(key)
    pos_indicies = jax.random.randint(k_idx, (4096, 200), 0, N_TRAJ, dtype=jnp.int64 if jax.config.jax_enable_x64 else jnp.int32)
    # nn.init.uniform_ defaults to U(0, 1)
    embed_weight = jax.random.uniform(k_w, (N_TRAJ, D_MODEL), dtype=jnp.float32)
    return {"pos_indicies": pos_indicies, "embed_weight": embed_weight}

def reference(pos_indicies, embed_weight):
    idx = pos_indicies.astype(jnp.int32)
    return jnp.take(embed_weight, idx, axis=0)

if __name__ == "__main__":
    import jax
    _d = setup_inputs()
    print(jax.jit(kernel)(*tuple(_d.values())))

</pallas_src>

<mosaic_0001>
#map = affine_map<(d0, d1) -> (0)>
#map1 = affine_map<(d0, d1) -> (0, 0)>
module attributes {stable_mosaic.version = 14 : i64} {
  func.func @k(%arg0: i32, %arg1: i32, %arg2: memref<819200xi32, #tpu.memory_space<hbm>>, %arg3: memref<1000000x64xf32, #tpu.memory_space<hbm>>, %arg4: memref<819200x128xf32, #tpu.memory_space<hbm>>, %arg5: memref<25600xi32, #tpu.memory_space<vmem>>, %arg6: memref<400x64xf32, #tpu.memory_space<vmem>>, %arg7: memref<400x64xf32, #tpu.memory_space<vmem>>, %arg8: memref<400x64xf32, #tpu.memory_space<vmem>>, %arg9: memref<400x64xf32, #tpu.memory_space<vmem>>, %arg10: memref<!tpu.dma_semaphore, #tpu.memory_space<semaphore_mem>>, %arg11: memref<!tpu.dma_semaphore, #tpu.memory_space<semaphore_mem>>, %arg12: memref<!tpu.dma_semaphore, #tpu.memory_space<semaphore_mem>>, %arg13: memref<!tpu.dma_semaphore, #tpu.memory_space<semaphore_mem>>, %arg14: memref<!tpu.dma_semaphore, #tpu.memory_space<semaphore_mem>>, %arg15: memref<!tpu.dma_semaphore, #tpu.memory_space<semaphore_mem>>, %arg16: memref<!tpu.dma_semaphore, #tpu.memory_space<semaphore_mem>>, %arg17: memref<!tpu.dma_semaphore, #tpu.memory_space<semaphore_mem>>) attributes {dimension_semantics = [#tpu.dimension_semantics<core_parallel>, #tpu.dimension_semantics<subcore_parallel>], iteration_bounds = array<i64: 2, 16>, scalar_prefetch = 0 : i64, scratch_operands = 13 : i64, tpu.core_type = #tpu.core_type<sc_vector_subcore>, window_params = [{transform_indices = #map}, {transform_indices = #map1}, {transform_indices = #map1}]} {
    %mul3A = arith.constant 2 : i32
    %mul3A_0 = arith.muli %arg1, %mul3A : i32
    %add3A = arith.addi %mul3A_0, %arg0 : i32
    %mul3A_1 = arith.constant 25600 : i32
    %mul3A_2 = arith.muli %add3A, %mul3A_1 : i32
    "tpu.region"() ({
      %run_scoped3A = tpu.sem_alloc : memref<!tpu.dma_semaphore, #tpu.memory_space<semaphore_mem>>
      %dma_start3A_39 = tpu.memref_slice %arg2[%mul3A_2] : memref<819200xi32, #tpu.memory_space<hbm>> -> memref<25600xi32, #tpu.memory_space<hbm>>
      %dma_start3A_40 = tpu.memref_slice %arg2[%mul3A_2] : memref<819200xi32, #tpu.memory_space<hbm>> -> memref<25600xi32, #tpu.memory_space<hbm>>
      tpu.enqueue_dma source(%dma_start3A_40 : memref<25600xi32, #tpu.memory_space<hbm>>) target(%arg5 : memref<25600xi32, #tpu.memory_space<vmem>>) target_semaphore(%run_scoped3A : memref<!tpu.dma_semaphore, #tpu.memory_space<semaphore_mem>>)
      %dma_wait3A_41 = tpu.memref_slice %arg2[%mul3A_2] : memref<819200xi32, #tpu.memory_space<hbm>> -> memref<25600xi32, #tpu.memory_space<hbm>>
      %dma_wait3A_42 = tpu.memref_slice %arg2[%mul3A_2] : memref<819200xi32, #tpu.memory_space<hbm>> -> memref<25600xi32, #tpu.memory_space<hbm>>
      tpu.wait_dma2 semaphore(%run_scoped3A : memref<!tpu.dma_semaphore, #tpu.memory_space<semaphore_mem>>) src(%dma_wait3A_42 : memref<25600xi32, #tpu.memory_space<hbm>>) dst(%arg5 : memref<25600xi32, #tpu.memory_space<vmem>>)
      tpu.yield
    }) : () -> ()
    %dma_start3A = arith.constant 0 : i32
    %dma_start3A_3 = tpu.memref_slice %arg5[%dma_start3A] : memref<25600xi32, #tpu.memory_space<vmem>> -> memref<400xi32, #tpu.memory_space<vmem>>
    %dma_start3A_4 = arith.constant 0 : i32
    %dma_start3A_5 = arith.constant 0 : i32
    %dma_start3A_6 = tpu.memref_slice %arg3[%dma_start3A_4, %dma_start3A_5] : memref<1000000x64xf32, #tpu.memory_space<hbm>> -> memref<1000000x64xf32, #tpu.memory_space<hbm>>
    tpu.enqueue_indirect_dma source(%dma_start3A_6 : memref<1000000x64xf32, #tpu.memory_space<hbm>>) target(%arg6 : memref<400x64xf32, #tpu.memory_space<vmem>>) offsets(%dma_start3A_3 : memref<400xi32, #tpu.memory_space<vmem>>) semaphore(%arg10 : memref<!tpu.dma_semaphore, #tpu.memory_space<semaphore_mem>>)
    %dma_start3A_7 = arith.constant 400 : i32
    %dma_start3A_8 = tpu.memref_slice %arg5[%dma_start3A_7] : memref<25600xi32, #tpu.memory_space<vmem>> -> memref<400xi32, #tpu.memory_space<vmem>>
    %dma_start3A_9 = arith.constant 0 : i32
    %dma_start3A_10 = arith.constant 0 : i32
    %dma_start3A_11 = tpu.memref_slice %arg3[%dma_start3A_9, %dma_start3A_10] : memref<1000000x64xf32, #tpu.memory_space<hbm>> -> memref<1000000x64xf32, #tpu.memory_space<hbm>>
    tpu.enqueue_indirect_dma source(%dma_start3A_11 : memref<1000000x64xf32, #tpu.memory_space<hbm>>) target(%arg7 : memref<400x64xf32, #tpu.memory_space<vmem>>) offsets(%dma_start3A_8 : memref<400xi32, #tpu.memory_space<vmem>>) semaphore(%arg11 : memref<!tpu.dma_semaphore, #tpu.memory_space<semaphore_mem>>)
    %scan3A = arith.constant 0 : i32
    %scan3A_12 = arith.constant 16 : i32
    %scan3A_13 = arith.addi %scan3A, %scan3A_12 : i32
    %scan3A_14 = arith.constant 1 : i32
    scf.for %scan3A_39 = %scan3A to %scan3A_13 step %scan3A_14  : i32 {
      %mul3A_40 = arith.constant 4 : i32
      %mul3A_41 = arith.muli %scan3A_39, %mul3A_40 : i32
      %add3A_42 = arith.constant 0 : i32
      %add3A_43 = arith.addi %add3A_42, %mul3A_41 : i32
      %add3A_44 = arith.constant 0 : i32
      %add3A_45 = arith.addi %add3A_43, %add3A_44 : i32
      %add3A_46 = arith.constant 2 : i32
      %add3A_47 = arith.addi %add3A_45, %add3A_46 : i32
      %lt3A = arith.constant 64 : i32
      %lt3A_48 = arith.cmpi slt, %add3A_47, %lt3A : i32
      %convert_element_type3A = arith.extui %lt3A_48 : i1 to i32
      %cond3A = arith.constant 0 : i32
      %cond3A_49 = arith.cmpi ne, %convert_element_type3A, %cond3A : i32
      scf.if %cond3A_49 {
        %add3A_129 = arith.constant 2 : i32
        %add3A_130 = arith.addi %add3A_45, %add3A_129 : i32
        %ge3A = arith.constant 4 : i32
        %ge3A_131 = arith.cmpi sge, %add3A_130, %ge3A : i32
        %convert_element_type3A_132 = arith.extui %ge3A_131 : i1 to i32
        %cond3A_133 = arith.constant 0 : i32
        %cond3A_134 = arith.cmpi ne, %convert_element_type3A_132, %cond3A_133 : i32
        scf.if %cond3A_134 {
          %add3A_143 = arith.constant 2 : i32
          %add3A_144 = arith.addi %add3A_45, %add3A_143 : i32
          %sub3A = arith.constant 4 : i32
          %sub3A_145 = arith.subi %add3A_144, %sub3A : i32
          %mul3A_146 = arith.constant 400 : i32
          %mul3A_147 = arith.muli %sub3A_145, %mul3A_146 : i32
          %add3A_148 = arith.addi %mul3A_2, %mul3A_147 : i32
          %dma_wait3A_149 = arith.constant 0 : i32
          %dma_wait3A_150 = tpu.memref_slice %arg4[%add3A_148, %dma_wait3A_149] : memref<819200x128xf32, #tpu.memory_space<hbm>> -> memref<400x64xf32, #tpu.memory_space<hbm>>
          %dma_wait3A_151 = arith.constant 0 : i32
          %dma_wait3A_152 = tpu.memref_slice %arg4[%add3A_148, %dma_wait3A_151] : memref<819200x128xf32, #tpu.memory_space<hbm>> -> memref<400x64xf32, #tpu.memory_space<hbm>>
          tpu.wait_dma2 semaphore(%arg16 : memref<!tpu.dma_semaphore, #tpu.memory_space<semaphore_mem>>) src(%arg8 : memref<400x64xf32, #tpu.memory_space<vmem>>) dst(%dma_wait3A_152 : memref<400x64xf32, #tpu.memory_space<hbm>>)
        } else {
        }
        %add3A_135 = arith.constant 2 : i32
        %add3A_136 = arith.addi %add3A_45, %add3A_135 : i32
        %mul3A_137 = arith.constant 400 : i32
        %mul3A_138 = arith.muli %add3A_136, %mul3A_137 : i32
        %dma_start3A_139 = tpu.memref_slice %arg5[%mul3A_138] : memref<25600xi32, #tpu.memory_space<vmem>> -> memref<400xi32, #tpu.memory_space<vmem>>
        %dma_start3A_140 = arith.constant 0 : i32
        %dma_start3A_141 = arith.constant 0 : i32
        %dma_start3A_142 = tpu.memref_slice %arg3[%dma_start3A_140, %dma_start3A_141] : memref<1000000x64xf32, #tpu.memory_space<hbm>> -> memref<1000000x64xf32, #tpu.memory_space<hbm>>
        tpu.enqueue_indirect_dma source(%dma_start3A_142 : memref<1000000x64xf32, #tpu.memory_space<hbm>>) target(%arg8 : memref<400x64xf32, #tpu.memory_space<vmem>>) offsets(%dma_start3A_139 : memref<400xi32, #tpu.memory_space<vmem>>) semaphore(%arg12 : memref<!tpu.dma_semaphore, #tpu.memory_space<semaphore_mem>>)
      } else {
      }
      %mul3A_50 = arith.constant 400 : i32
      %mul3A_51 = arith.muli %add3A_45, %mul3A_50 : i32
      %dma_wait3A_52 = tpu.memref_slice %arg5[%mul3A_51] : memref<25600xi32, #tpu.memory_space<vmem>> -> memref<400xi32, #tpu.memory_space<vmem>>
      %dma_wait3A_53 = arith.constant 0 : i32
      %dma_wait3A_54 = arith.constant 0 : i32
      %dma_wait3A_55 = tpu.memref_slice %arg3[%dma_wait3A_53, %dma_wait3A_54] : memref<1000000x64xf32, #tpu.memory_space<hbm>> -> memref<1000000x64xf32, #tpu.memory_space<hbm>>
      tpu.wait_indirect_dma semaphore(%arg10 : memref<!tpu.dma_semaphore, #tpu.memory_space<semaphore_mem>>) src(%dma_wait3A_55 : memref<1000000x64xf32, #tpu.memory_space<hbm>>) dst(%arg6 : memref<400x64xf32, #tpu.memory_space<vmem>>)
      %mul3A_56 = arith.constant 400 : i32
      %mul3A_57 = arith.muli %add3A_45, %mul3A_56 : i32
      %add3A_58 = arith.addi %mul3A_2, %mul3A_57 : i32
      %dma_start3A_59 = arith.constant 0 : i32
      %dma_start3A_60 = tpu.memref_slice %arg4[%add3A_58, %dma_start3A_59] : memref<819200x128xf32, #tpu.memory_space<hbm>> -> memref<400x64xf32, #tpu.memory_space<hbm>>
      %dma_start3A_61 = arith.constant 0 : i32
      %dma_start3A_62 = tpu.memref_slice %arg4[%add3A_58, %dma_start3A_61] : memref<819200x128xf32, #tpu.memory_space<hbm>> -> memref<400x64xf32, #tpu.memory_space<hbm>>
      tpu.enqueue_dma source(%arg6 : memref<400x64xf32, #tpu.memory_space<vmem>>) target(%dma_start3A_62 : memref<400x64xf32, #tpu.memory_space<hbm>>) target_semaphore(%arg14 : memref<!tpu.dma_semaphore, #tpu.memory_space<semaphore_mem>>)
      %add3A_63 = arith.constant 1 : i32
      %add3A_64 = arith.addi %add3A_43, %add3A_63 : i32
      %add3A_65 = arith.constant 2 : i32
      %add3A_66 = arith.addi %add3A_64, %add3A_65 : i32
      %lt3A_67 = arith.constant 64 : i32
      %lt3A_68 = arith.cmpi slt, %add3A_66, %lt3A_67 : i32
      %convert_element_type3A_69 = arith.extui %lt3A_68 : i1 to i32
      %cond3A_70 = arith.constant 0 : i32
      %cond3A_71 = arith.cmpi ne, %convert_element_type3A_69, %cond3A_70 : i32
      scf.if %cond3A_71 {
        %add3A_129 = arith.constant 2 : i32
        %add3A_130 = arith.addi %add3A_64, %add3A_129 : i32
        %ge3A = arith.constant 4 : i32
        %ge3A_131 = arith.cmpi sge, %add3A_130, %ge3A : i32
        %convert_element_type3A_132 = arith.extui %ge3A_131 : i1 to i32
        %cond3A_133 = arith.constant 0 : i32
        %cond3A_134 = arith.cmpi ne, %convert_element_type3A_132, %cond3A_133 : i32
        scf.if %cond3A_134 {
          %add3A_143 = arith.constant 2 : i32
          %add3A_144 = arith.addi %add3A_64, %add3A_143 : i32
          %sub3A = arith.constant 4 : i32
          %sub3A_145 = arith.subi %add3A_144, %sub3A : i32
          %mul3A_146 = arith.constant 400 : i32
          %mul3A_147 = arith.muli %sub3A_145, %mul3A_146 : i32
          %add3A_148 = arith.addi %mul3A_2, %mul3A_147 : i32
          %dma_wait3A_149 = arith.constant 0 : i32
          %dma_wait3A_150 = tpu.memref_slice %arg4[%add3A_148, %dma_wait3A_149] : memref<819200x128xf32, #tpu.memory_space<hbm>> -> memref<400x64xf32, #tpu.memory_space<hbm>>
          %dma_wait3A_151 = arith.constant 0 : i32
          %dma_wait3A_152 = tpu.memref_slice %arg4[%add3A_148, %dma_wait3A_151] : memref<819200x128xf32, #tpu.memory_space<hbm>> -> memref<400x64xf32, #tpu.memory_space<hbm>>
          tpu.wait_dma2 semaphore(%arg17 : memref<!tpu.dma_semaphore, #tpu.memory_space<semaphore_mem>>) src(%arg9 : memref<400x64xf32, #tpu.memory_space<vmem>>) dst(%dma_wait3A_152 : memref<400x64xf32, #tpu.memory_space<hbm>>)
        } else {
        }
        %add3A_135 = arith.constant 2 : i32
        %add3A_136 = arith.addi %add3A_64, %add3A_135 : i32
        %mul3A_137 = arith.constant 400 : i32
        %mul3A_138 = arith.muli %add3A_136, %mul3A_137 : i32
        %dma_start3A_139 = tpu.memref_slice %arg5[%mul3A_138] : memref<25600xi32, #tpu.memory_space<vmem>> -> memref<400xi32, #tpu.memory_space<vmem>>
        %dma_start3A_140 = arith.constant 0 : i32
        %dma_start3A_141 = arith.constant 0 : i32
        %dma_start3A_142 = tpu.memref_slice %arg3[%dma_start3A_140, %dma_start3A_141] : memref<1000000x64xf32, #tpu.memory_space<hbm>> -> memref<1000000x64xf32, #tpu.memory_space<hbm>>
        tpu.enqueue_indirect_dma source(%dma_start3A_142 : memref<1000000x64xf32, #tpu.memory_space<hbm>>) target(%arg9 : memref<400x64xf32, #tpu.memory_space<vmem>>) offsets(%dma_start3A_139 : memref<400xi32, #tpu.memory_space<vmem>>) semaphore(%arg13 : memref<!tpu.dma_semaphore, #tpu.memory_space<semaphore_mem>>)
      } else {
      }
      %mul3A_72 = arith.constant 400 : i32
      %mul3A_73 = arith.muli %add3A_64, %mul3A_72 : i32
      %dma_wait3A_74 = tpu.memref_slice %arg5[%mul3A_73] : memref<25600xi32, #tpu.memory_space<vmem>> -> memref<400xi32, #tpu.memory_space<vmem>>
      %dma_wait3A_75 = arith.constant 0 : i32
      %dma_wait3A_76 = arith.constant 0 : i32
      %dma_wait3A_77 = tpu.memref_slice %arg3[%dma_wait3A_75, %dma_wait3A_76] : memref<1000000x64xf32, #tpu.memory_space<hbm>> -> memref<1000000x64xf32, #tpu.memory_space<hbm>>
      tpu.wait_indirect_dma semaphore(%arg11 : memref<!tpu.dma_semaphore, #tpu.memory_space<semaphore_mem>>) src(%dma_wait3A_77 : memref<1000000x64xf32, #tpu.memory_space<hbm>>) dst(%arg7 : memref<400x64xf32, #tpu.memory_space<vmem>>)
      %mul3A_78 = arith.constant 400 : i32
      %mul3A_79 = arith.muli %add3A_64, %mul3A_78 : i32
      %add3A_80 = arith.addi %mul3A_2, %mul3A_79 : i32
      %dma_start3A_81 = arith.constant 0 : i32
      %dma_start3A_82 = tpu.memref_slice %arg4[%add3A_80, %dma_start3A_81] : memref<819200x128xf32, #tpu.memory_space<hbm>> -> memref<400x64xf32, #tpu.memory_space<hbm>>
      %dma_start3A_83 = arith.constant 0 : i32
      %dma_start3A_84 = tpu.memref_slice %arg4[%add3A_80, %dma_start3A_83] : memref<819200x128xf32, #tpu.memory_space<hbm>> -> memref<400x64xf32, #tpu.memory_space<hbm>>
      tpu.enqueue_dma source(%arg7 : memref<400x64xf32, #tpu.memory_space<vmem>>) target(%dma_start3A_84 : memref<400x64xf32, #tpu.memory_space<hbm>>) target_semaphore(%arg15 : memref<!tpu.dma_semaphore, #tpu.memory_space<semaphore_mem>>)
      %add3A_85 = arith.constant 2 : i32
      %add3A_86 = arith.addi %add3A_43, %add3A_85 : i32
      %add3A_87 = arith.constant 2 : i32
      %add3A_88 = arith.addi %add3A_86, %add3A_87 : i32
      %lt3A_89 = arith.constant 64 : i32
      %lt3A_90 = arith.cmpi slt, %add3A_88, %lt3A_89 : i32
      %convert_element_type3A_91 = arith.extui %lt3A_90 : i1 to i32
      %cond3A_92 = arith.constant 0 : i32
      %cond3A_93 = arith.cmpi ne, %convert_element_type3A_91, %cond3A_92 : i32
      scf.if %cond3A_93 {
        %add3A_129 = arith.constant 2 : i32
        %add3A_130 = arith.addi %add3A_86, %add3A_129 : i32
        %ge3A = arith.constant 4 : i32
        %ge3A_131 = arith.cmpi sge, %add3A_130, %ge3A : i32
        %convert_element_type3A_132 = arith.extui %ge3A_131 : i1 to i32
        %cond3A_133 = arith.constant 0 : i32
        %cond3A_134 = arith.cmpi ne, %convert_element_type3A_132, %cond3A_133 : i32
        scf.if %cond3A_134 {
          %add3A_143 = arith.constant 2 : i32
          %add3A_144 = arith.addi %add3A_86, %add3A_143 : i32
          %sub3A = arith.constant 4 : i32
          %sub3A_145 = arith.subi %add3A_144, %sub3A : i32
          %mul3A_146 = arith.constant 400 : i32
          %mul3A_147 = arith.muli %sub3A_145, %mul3A_146 : i32
          %add3A_148 = arith.addi %mul3A_2, %mul3A_147 : i32
          %dma_wait3A_149 = arith.constant 0 : i32
          %dma_wait3A_150 = tpu.memref_slice %arg4[%add3A_148, %dma_wait3A_149] : memref<819200x128xf32, #tpu.memory_space<hbm>> -> memref<400x64xf32, #tpu.memory_space<hbm>>
          %dma_wait3A_151 = arith.constant 0 : i32
          %dma_wait3A_152 = tpu.memref_slice %arg4[%add3A_148, %dma_wait3A_151] : memref<819200x128xf32, #tpu.memory_space<hbm>> -> memref<400x64xf32, #tpu.memory_space<hbm>>
          tpu.wait_dma2 semaphore(%arg14 : memref<!tpu.dma_semaphore, #tpu.memory_space<semaphore_mem>>) src(%arg6 : memref<400x64xf32, #tpu.memory_space<vmem>>) dst(%dma_wait3A_152 : memref<400x64xf32, #tpu.memory_space<hbm>>)
        } else {
        }
        %add3A_135 = arith.constant 2 : i32
        %add3A_136 = arith.addi %add3A_86, %add3A_135 : i32
        %mul3A_137 = arith.constant 400 : i32
        %mul3A_138 = arith.muli %add3A_136, %mul3A_137 : i32
        %dma_start3A_139 = tpu.memref_slice %arg5[%mul3A_138] : memref<25600xi32, #tpu.memory_space<vmem>> -> memref<400xi32, #tpu.memory_space<vmem>>
        %dma_start3A_140 = arith.constant 0 : i32
        %dma_start3A_141 = arith.constant 0 : i32
        %dma_start3A_142 = tpu.memref_slice %arg3[%dma_start3A_140, %dma_start3A_141] : memref<1000000x64xf32, #tpu.memory_space<hbm>> -> memref<1000000x64xf32, #tpu.memory_space<hbm>>
        tpu.enqueue_indirect_dma source(%dma_start3A_142 : memref<1000000x64xf32, #tpu.memory_space<hbm>>) target(%arg6 : memref<400x64xf32, #tpu.memory_space<vmem>>) offsets(%dma_start3A_139 : memref<400xi32, #tpu.memory_space<vmem>>) semaphore(%arg10 : memref<!tpu.dma_semaphore, #tpu.memory_space<semaphore_mem>>)
      } else {
      }
      %mul3A_94 = arith.constant 400 : i32
      %mul3A_95 = arith.muli %add3A_86, %mul3A_94 : i32
      %dma_wait3A_96 = tpu.memref_slice %arg5[%mul3A_95] : memref<25600xi32, #tpu.memory_space<vmem>> -> memref<400xi32, #tpu.memory_space<vmem>>
      %dma_wait3A_97 = arith.constant 0 : i32
      %dma_wait3A_98 = arith.constant 0 : i32
      %dma_wait3A_99 = tpu.memref_slice %arg3[%dma_wait3A_97, %dma_wait3A_98] : memref<1000000x64xf32, #tpu.memory_space<hbm>> -> memref<1000000x64xf32, #tpu.memory_space<hbm>>
      tpu.wait_indirect_dma semaphore(%arg12 : memref<!tpu.dma_semaphore, #tpu.memory_space<semaphore_mem>>) src(%dma_wait3A_99 : memref<1000000x64xf32, #tpu.memory_space<hbm>>) dst(%arg8 : memref<400x64xf32, #tpu.memory_space<vmem>>)
      %mul3A_100 = arith.constant 400 : i32
      %mul3A_101 = arith.muli %add3A_86, %mul3A_100 : i32
      %add3A_102 = arith.addi %mul3A_2, %mul3A_101 : i32
      %dma_start3A_103 = arith.constant 0 : i32
      %dma_start3A_104 = tpu.memref_slice %arg4[%add3A_102, %dma_start3A_103] : memref<819200x128xf32, #tpu.memory_space<hbm>> -> memref<400x64xf32, #tpu.memory_space<hbm>>
      %dma_start3A_105 = arith.constant 0 : i32
      %dma_start3A_106 = tpu.memref_slice %arg4[%add3A_102, %dma_start3A_105] : memref<819200x128xf32, #tpu.memory_space<hbm>> -> memref<400x64xf32, #tpu.memory_space<hbm>>
      tpu.enqueue_dma source(%arg8 : memref<400x64xf32, #tpu.memory_space<vmem>>) target(%dma_start3A_106 : memref<400x64xf32, #tpu.memory_space<hbm>>) target_semaphore(%arg16 : memref<!tpu.dma_semaphore, #tpu.memory_space<semaphore_mem>>)
      %add3A_107 = arith.constant 3 : i32
      %add3A_108 = arith.addi %add3A_43, %add3A_107 : i32
      %add3A_109 = arith.constant 2 : i32
      %add3A_110 = arith.addi %add3A_108, %add3A_109 : i32
      %lt3A_111 = arith.constant 64 : i32
      %lt3A_112 = arith.cmpi slt, %add3A_110, %lt3A_111 : i32
      %convert_element_type3A_113 = arith.extui %lt3A_112 : i1 to i32
      %cond3A_114 = arith.constant 0 : i32
      %cond3A_115 = arith.cmpi ne, %convert_element_type3A_113, %cond3A_114 : i32
      scf.if %cond3A_115 {
        %add3A_129 = arith.constant 2 : i32
        %add3A_130 = arith.addi %add3A_108, %add3A_129 : i32
        %ge3A = arith.constant 4 : i32
        %ge3A_131 = arith.cmpi sge, %add3A_130, %ge3A : i32
        %convert_element_type3A_132 = arith.extui %ge3A_131 : i1 to i32
        %cond3A_133 = arith.constant 0 : i32
        %cond3A_134 = arith.cmpi ne, %convert_element_type3A_132, %cond3A_133 : i32
        scf.if %cond3A_134 {
          %add3A_143 = arith.constant 2 : i32
          %add3A_144 = arith.addi %add3A_108, %add3A_143 : i32
          %sub3A = arith.constant 4 : i32
          %sub3A_145 = arith.subi %add3A_144, %sub3A : i32
          %mul3A_146 = arith.constant 400 : i32
          %mul3A_147 = arith.muli %sub3A_145, %mul3A_146 : i32
          %add3A_148 = arith.addi %mul3A_2, %mul3A_147 : i32
          %dma_wait3A_149 = arith.constant 0 : i32
          %dma_wait3A_150 = tpu.memref_slice %arg4[%add3A_148, %dma_wait3A_149] : memref<819200x128xf32, #tpu.memory_space<hbm>> -> memref<400x64xf32, #tpu.memory_space<hbm>>
          %dma_wait3A_151 = arith.constant 0 : i32
          %dma_wait3A_152 = tpu.memref_slice %arg4[%add3A_148, %dma_wait3A_151] : memref<819200x128xf32, #tpu.memory_space<hbm>> -> memref<400x64xf32, #tpu.memory_space<hbm>>
          tpu.wait_dma2 semaphore(%arg15 : memref<!tpu.dma_semaphore, #tpu.memory_space<semaphore_mem>>) src(%arg7 : memref<400x64xf32, #tpu.memory_space<vmem>>) dst(%dma_wait3A_152 : memref<400x64xf32, #tpu.memory_space<hbm>>)
        } else {
        }
        %add3A_135 = arith.constant 2 : i32
        %add3A_136 = arith.addi %add3A_108, %add3A_135 : i32
        %mul3A_137 = arith.constant 400 : i32
        %mul3A_138 = arith.muli %add3A_136, %mul3A_137 : i32
        %dma_start3A_139 = tpu.memref_slice %arg5[%mul3A_138] : memref<25600xi32, #tpu.memory_space<vmem>> -> memref<400xi32, #tpu.memory_space<vmem>>
        %dma_start3A_140 = arith.constant 0 : i32
        %dma_start3A_141 = arith.constant 0 : i32
        %dma_start3A_142 = tpu.memref_slice %arg3[%dma_start3A_140, %dma_start3A_141] : memref<1000000x64xf32, #tpu.memory_space<hbm>> -> memref<1000000x64xf32, #tpu.memory_space<hbm>>
        tpu.enqueue_indirect_dma source(%dma_start3A_142 : memref<1000000x64xf32, #tpu.memory_space<hbm>>) target(%arg7 : memref<400x64xf32, #tpu.memory_space<vmem>>) offsets(%dma_start3A_139 : memref<400xi32, #tpu.memory_space<vmem>>) semaphore(%arg11 : memref<!tpu.dma_semaphore, #tpu.memory_space<semaphore_mem>>)
      } else {
      }
      %mul3A_116 = arith.constant 400 : i32
      %mul3A_117 = arith.muli %add3A_108, %mul3A_116 : i32
      %dma_wait3A_118 = tpu.memref_slice %arg5[%mul3A_117] : memref<25600xi32, #tpu.memory_space<vmem>> -> memref<400xi32, #tpu.memory_space<vmem>>
      %dma_wait3A_119 = arith.constant 0 : i32
      %dma_wait3A_120 = arith.constant 0 : i32
      %dma_wait3A_121 = tpu.memref_slice %arg3[%dma_wait3A_119, %dma_wait3A_120] : memref<1000000x64xf32, #tpu.memory_space<hbm>> -> memref<1000000x64xf32, #tpu.memory_space<hbm>>
      tpu.wait_indirect_dma semaphore(%arg13 : memref<!tpu.dma_semaphore, #tpu.memory_space<semaphore_mem>>) src(%dma_wait3A_121 : memref<1000000x64xf32, #tpu.memory_space<hbm>>) dst(%arg9 : memref<400x64xf32, #tpu.memory_space<vmem>>)
      %mul3A_122 = arith.constant 400 : i32
      %mul3A_123 = arith.muli %add3A_108, %mul3A_122 : i32
      %add3A_124 = arith.addi %mul3A_2, %mul3A_123 : i32
      %dma_start3A_125 = arith.constant 0 : i32
      %dma_start3A_126 = tpu.memref_slice %arg4[%add3A_124, %dma_start3A_125] : memref<819200x128xf32, #tpu.memory_space<hbm>> -> memref<400x64xf32, #tpu.memory_space<hbm>>
      %dma_start3A_127 = arith.constant 0 : i32
      %dma_start3A_128 = tpu.memref_slice %arg4[%add3A_124, %dma_start3A_127] : memref<819200x128xf32, #tpu.memory_space<hbm>> -> memref<400x64xf32, #tpu.memory_space<hbm>>
      tpu.enqueue_dma source(%arg9 : memref<400x64xf32, #tpu.memory_space<vmem>>) target(%dma_start3A_128 : memref<400x64xf32, #tpu.memory_space<hbm>>) target_semaphore(%arg17 : memref<!tpu.dma_semaphore, #tpu.memory_space<semaphore_mem>>)
    }
    %scan3A_15 = arith.constant 16 : i32
    %add3A_16 = arith.constant 24000 : i32
    %add3A_17 = arith.addi %mul3A_2, %add3A_16 : i32
    %dma_wait3A = arith.constant 0 : i32
    %dma_wait3A_18 = tpu.memref_slice %arg4[%add3A_17, %dma_wait3A] : memref<819200x128xf32, #tpu.memory_space<hbm>> -> memref<400x64xf32, #tpu.memory_space<hbm>>
    %dma_wait3A_19 = arith.constant 0 : i32
    %dma_wait3A_20 = tpu.memref_slice %arg4[%add3A_17, %dma_wait3A_19] : memref<819200x128xf32, #tpu.memory_space<hbm>> -> memref<400x64xf32, #tpu.memory_space<hbm>>
    tpu.wait_dma2 semaphore(%arg14 : memref<!tpu.dma_semaphore, #tpu.memory_space<semaphore_mem>>) src(%arg6 : memref<400x64xf32, #tpu.memory_space<vmem>>) dst(%dma_wait3A_20 : memref<400x64xf32, #tpu.memory_space<hbm>>)
    %add3A_21 = arith.constant 24400 : i32
    %add3A_22 = arith.addi %mul3A_2, %add3A_21 : i32
    %dma_wait3A_23 = arith.constant 0 : i32
    %dma_wait3A_24 = tpu.memref_slice %arg4[%add3A_22, %dma_wait3A_23] : memref<819200x128xf32, #tpu.memory_space<hbm>> -> memref<400x64xf32, #tpu.memory_space<hbm>>
    %dma_wait3A_25 = arith.constant 0 : i32
    %dma_wait3A_26 = tpu.memref_slice %arg4[%add3A_22, %dma_wait3A_25] : memref<819200x128xf32, #tpu.memory_space<hbm>> -> memref<400x64xf32, #tpu.memory_space<hbm>>
    tpu.wait_dma2 semaphore(%arg15 : memref<!tpu.dma_semaphore, #tpu.memory_space<semaphore_mem>>) src(%arg7 : memref<400x64xf32, #tpu.memory_space<vmem>>) dst(%dma_wait3A_26 : memref<400x64xf32, #tpu.memory_space<hbm>>)
    %add3A_27 = arith.constant 24800 : i32
    %add3A_28 = arith.addi %mul3A_2, %add3A_27 : i32
    %dma_wait3A_29 = arith.constant 0 : i32
    %dma_wait3A_30 = tpu.memref_slice %arg4[%add3A_28, %dma_wait3A_29] : memref<819200x128xf32, #tpu.memory_space<hbm>> -> memref<400x64xf32, #tpu.memory_space<hbm>>
    %dma_wait3A_31 = arith.constant 0 : i32
    %dma_wait3A_32 = tpu.memref_slice %arg4[%add3A_28, %dma_wait3A_31] : memref<819200x128xf32, #tpu.memory_space<hbm>> -> memref<400x64xf32, #tpu.memory_space<hbm>>
    tpu.wait_dma2 semaphore(%arg16 : memref<!tpu.dma_semaphore, #tpu.memory_space<semaphore_mem>>) src(%arg8 : memref<400x64xf32, #tpu.memory_space<vmem>>) dst(%dma_wait3A_32 : memref<400x64xf32, #tpu.memory_space<hbm>>)
    %add3A_33 = arith.constant 25200 : i32
    %add3A_34 = arith.addi %mul3A_2, %add3A_33 : i32
    %dma_wait3A_35 = arith.constant 0 : i32
    %dma_wait3A_36 = tpu.memref_slice %arg4[%add3A_34, %dma_wait3A_35] : memref<819200x128xf32, #tpu.memory_space<hbm>> -> memref<400x64xf32, #tpu.memory_space<hbm>>
    %dma_wait3A_37 = arith.constant 0 : i32
    %dma_wait3A_38 = tpu.memref_slice %arg4[%add3A_34, %dma_wait3A_37] : memref<819200x128xf32, #tpu.memory_space<hbm>> -> memref<400x64xf32, #tpu.memory_space<hbm>>
    tpu.wait_dma2 semaphore(%arg17 : memref<!tpu.dma_semaphore, #tpu.memory_space<semaphore_mem>>) src(%arg9 : memref<400x64xf32, #tpu.memory_space<vmem>>) dst(%dma_wait3A_38 : memref<400x64xf32, #tpu.memory_space<hbm>>)
    return
  }
}

</mosaic_0001>

<sc_bundles>
// kernel: _gather.3.cloned.1.call-start
scs
__scs_entry_jumppad:
0x0: {  	(pc) =	sbr.rel $0x88, $3  }
0x1: {  	(tag) =	ssettag $0x0;
	lr =	simm.s32 $0x1  }
0x2: {  	[smem:$0x3F9F] =	sst lr;
	_ =	strace $0xD0000000  }
0x3: {  	_ = 	snop  }
0x4: {  	_ = 	snop  }
0x5: {  	_ = 	snop  }
0x6: {  	_ = 	snop  }
0x7: {  	_ = 	snop  }
__scs_overlays_trampoline_lowered:
0x8: {  	[smem:$0x3FAE] =	sst s0  }
0x9: {  	[smem:$0x3FAF] =	sst s1  }
0xa: {  	[smem:$0x3FB0] =	sst s2  }
0xb: {  	[smem:$0x3FB1] =	sst s3  }
0xc: {  	[smem:$0x3FB2] =	sst s4  }
0xd: {  	[smem:$0x3FB3] =	sst s5  }
0xe: {  	[smem:$0x3FB4] =	sst s6  }
0xf: {  	[smem:$0x3FB5] =	sst s7  }
0x10: {  	[smem:$0x3FB6] =	sst s8  }
0x11: {  	[smem:$0x3FB7] =	sst s9;
	s0 =	simm.s32 @!p0 $0x0  }
0x12: {  	s1 =	sld [smem:$0x3F9D];
	s0 =	simm.s32 @p0 $0x1  }
0x13: {  	[smem:$0x3FB8] =	sst s0;
	s0 =	simm.s32 @!p1 $0x0  }
0x14: {  	s2 =	sld [smem:$0x3F9C];
	s0 =	simm.s32 @p1 $0x1  }
0x15: {  	[smem:$0x3FB9] =	sst s0;
	s0 =	simm.s32 @!p2 $0x0  }
0x16: {  	s3 =	sld [smem:$0x3FDB];
	s0 =	simm.s32 @p2 $0x1  }
0x17: {  	s4 =	simm.s32 $0x1BF5;
	[smem:$0x3FBB] =	sst s0  }
0x18: {  	s0 =	sld [smem:$0x3F9E];
	_ =	swait.ge [sflag:s4], $0x0  }
0x19: {  	s7 =	sld [smem:$0x3F9F]  }
0x1a: {  	s8 =	sadd.s32 $0xFFFFE003, lr  }
0x1b: {  	s9 =	sadd.s32 $0xFFFFFEF7, lr;
	s5 =	simm.s32 $0xFFFFFFFF;
	p2 =	slt.u32 s8, $0xFFFFF086  }
0x1c: {  	p1 =	slt.u32 s9, $0xF7A;
	s5 =	simm.s32 @!p2 $0x0  }
0x1d: {  	s5 =	simm.s32 @p1 $0x1;
	p0 =	seq.s32 s7, s2  }
0x1e: {  	s7 =	smul.u32 @!p0 $0xF7A, s2;
	p2 =	seq.s32 @!p0 s5, $0x0  }
0x1f: {  	s9 =	smul.u32 $0xF7A, s1;
	s8 =	simm.s32 @!p0 $0x1BF5;
	p2 =	por !p2, p0  }
0x20: {  	[sflag:s8] =	ssyncset.s32 @!p0 $0xFFFFF086;
	s6 =	sadd.s32 @!p0 s3, s7;
	s7 =	simm.s32 @!p0 $0x108  }
0x21: {  	s3 =	sadd.s32 s3, s9;
	s6 =	sadd.s32 @!p0 $0x88, s6;
	s7 =	simm.s32 @p2 $0x1082  }
0x22: {  	[simem:s7], [sflag:s8] =	dma.local @!p0 [hbm:s6], $0xF7A  }
0x23: {  	s9 =	sor.u32 $0xD0000000, s2;
	s6 =	simm.s32 $0x108;
	_ =	swait.ge @!p0 [sflag:s8], $0x0  }
0x24: {  	s3 =	sadd.s32 $0x88, s3;
	s6 =	simm.s32 @!p1 $0x1082;
	[sflag:s4] =	ssyncset.s32 $0xFFFFF086  }
0x25: {  	[simem:s6], [sflag:s4] =	dma.local [hbm:s3], $0xF7A  }
0x26: {  	[smem:$0x3F9F] =	sst s1;
	(tag) =	ssettag s2;
	_ =	strace s9  }
0x27: {  	s1 =	sld [smem:$0x3FAF]  }
0x28: {  	s2 =	sld [smem:$0x3FB0]  }
0x29: {  	s4 =	sld [smem:$0x3FB2]  }
0x2a: {  	p0 =	seq.s32 s5, $0x0;
	s5 =	sld [smem:$0x3FB3]  }
0x2b: {  	s6 =	sld [smem:$0x3FB4]  }
0x2c: {  	s7 =	sld [smem:$0x3FB5]  }
0x2d: {  	s3 =	simm.s32 $0x108;
	s8 =	sld [smem:$0x3FB6]  }
0x2e: {  	s3 =	simm.s32 @!p0 $0x1082;
	s9 =	sld [smem:$0x3FB7]  }
0x2f: {  	lr =	sadd.s32 s0, s3;
	s0 =	sld [smem:$0x3FAE]  }
0x30: {  	s3 =	sld [smem:$0x3FB1]  }
0x31: {  	[smem:$0x3FBA] =	sst s10  }
0x32: {  	s10 =	sld [smem:$0x3FB8];
	_ =	sdelay $0x3  }
0x33: {  	p0 =	seq.s32 s10, $0x1;
	s10 =	sld [smem:$0x3FBA];
	_ =	sdelay $0x3  }
0x34: {  	[smem:$0x3FBA] =	sst s10  }
0x35: {  	s10 =	sld [smem:$0x3FB9];
	_ =	sdelay $0x3  }
0x36: {  	p1 =	seq.s32 s10, $0x1;
	s10 =	sld [smem:$0x3FBA];
	_ =	sdelay $0x3  }
0x37: {  	[smem:$0x3FBA] =	sst s10  }
0x38: {  	s10 =	sld [smem:$0x3FBB]  }
0x39: {  	_ = 	snop;
	(pc) =	sbr.ind lr, $3  }
0x3a: {  	_ = 	snop  }
0x3b: {  	_ = 	snop  }
0x3c: {  	p2 =	seq.s32 s10, $0x1;
	s10 =	sld [smem:$0x3FBA]  }
0x3d: {  	_ =	shalt  }
0x3e: {  	_ =	shalt  }
0x3f: {  	_ =	shalt  }
0x40: {  	_ =	shalt  }
0x41: {  	_ =	shalt  }
0x42: {  	_ =	shalt  }
0x43: {  	_ =	shalt  }
0x44: {  	_ =	shalt  }
0x45: {  	_ =	shalt  }
0x46: {  	_ =	shalt  }
0x47: {  	_ =	shalt  }
0x48: {  	_ =	shalt  }
0x49: {  	_ =	shalt  }
0x4a: {  	_ =	shalt  }
0x4b: {  	_ =	shalt  }
0x4c: {  	_ =	shalt  }
0x4d: {  	_ =	shalt  }
0x4e: {  	_ =	shalt  }
0x4f: {  	_ =	shalt  }
0x50: {  	_ =	shalt  }
0x51: {  	_ =	shalt  }
0x52: {  	_ =	shalt  }
0x53: {  	_ =	shalt  }
0x54: {  	_ =	shalt  }
0x55: {  	_ =	shalt  }
0x56: {  	_ =	shalt  }
0x57: {  	_ =	shalt  }
0x58: {  	_ =	shalt  }
0x59: {  	_ =	shalt  }
0x5a: {  	_ =	shalt  }
0x5b: {  	_ =	shalt  }
0x5c: {  	_ =	shalt  }
0x5d: {  	_ =	shalt  }
0x5e: {  	_ =	shalt  }
0x5f: {  	_ =	shalt  }
0x60: {  	_ =	shalt  }
0x61: {  	_ =	shalt  }
0x62: {  	_ =	shalt  }
0x63: {  	_ =	shalt  }
0x64: {  	_ =	shalt  }
0x65: {  	_ =	shalt  }
0x66: {  	_ =	shalt  }
0x67: {  	_ =	shalt  }
0x68: {  	_ =	shalt  }
0x69: {  	_ =	shalt  }
0x6a: {  	_ =	shalt  }
0x6b: {  	_ =	shalt  }
0x6c: {  	_ =	shalt  }
0x6d: {  	_ =	shalt  }
0x6e: {  	_ =	shalt  }
0x6f: {  	_ =	shalt  }
0x70: {  	_ =	shalt  }
0x71: {  	_ =	shalt  }
0x72: {  	_ =	shalt  }
0x73: {  	_ =	shalt  }
0x74: {  	_ =	shalt  }
0x75: {  	_ =	shalt  }
0x76: {  	_ =	shalt  }
0x77: {  	_ =	shalt  }
0x78: {  	_ =	shalt  }
0x79: {  	_ =	shalt  }
0x7a: {  	_ =	shalt  }
0x7b: {  	_ =	shalt  }
0x7c: {  	_ =	shalt  }
0x7d: {  	_ =	shalt  }
0x7e: {  	_ =	shalt  }
0x7f: {  	_ =	shalt  }
0x80: {  	_ =	shalt  }
0x81: {  	_ =	shalt  }
0x82: {  	_ =	shalt  }
0x83: {  	_ =	shalt  }
0x84: {  	_ =	shalt  }
0x85: {  	_ =	shalt  }
0x86: {  	_ =	shalt  }
0x87: {  	_ =	shalt  }
.Lfunc_end0:
.L_simem_size_0:
called_computation_lowered:
.L_overlay_start_0:
0x88: {  	s2 =	sld [smem:$0x3FD9]  }
0x89: {  	s3 =	sld [smem:$0x3FFE];
	_ =	sdelay $0x1  }
0x8a: {  	s1 =	srdreg.scid  }
0x8b: {  	s0 =	sand.u32 $0x1, s1  }
0x8c: {  	s17 =	sshll.u32 s0, $0xA;
	s2 =	sadd.s32 s3, s2  }
0x8d: {  	s2 =	sadd.s32 s2, s17  }
0x8e: {  	[smem:$0x3FC6] =	sst s2  }
0x8f: {  	_ = 	snop  }
0x90: {  	s2 =	sld [smem:$0x3FC9]  }
0x91: {  	s18 =	sld [smem:$0x3FD0];
	(tm) =	ssettm $0x1  }
0x92: {  	s4 =	sld [smem:$0x3FFB];
	_ =	sdelay $0x3  }
0x93: {  	_ =	strace s4  }
0x94: {  	s4 =	sld [smem:$0x3FFC];
	_ =	sdelay $0x3  }
0x95: {  	_ =	strace s4  }
0x96: {  	s4 =	sld [smem:$0x3FFD];
	_ =	sdelay $0x3  }
0x97: {  	_ =	strace s4  }
0x98: {  	_ =	strace $0x8FFFFFFF  }
0x99: {  	s19 =	sld [smem:$0x3FDB];
	_ =	sdelay $0x1  }
0x9a: {  	s5 =	simm.s32 $_scs_section_size  }
0x9b: {  	s6 =	simm.s32 $_size__tile_overlayer_lowered;
	s7 =	simm.s32 $_tile_overlayer_lowered  }
0x9c: {  	s22 =	simm.s32 $0x1BFF;
	s21 =	sshll.u32 s7, $0x1;
	s4 =	sadd.s32 s5, s19  }
0x9d: {  	s8 =	simm.s32 $0x0;
	s20 =	sshll.u32 s6, $0x1;
	s6 =	sadd.s32 s21, s4  }
0x9e: {  	[timem:s8], [sflag:s22] =	dma.local [hbm:s6], s20  }
0x9f: {  	_ =	swait.ge [sflag:s22], s20  }
0xa0: {  	s5 =	ssub.s32 $0x0, s20;
	[sflag:s22] =	ssyncset.done $0x0  }
0xa1: {  	[sflag:s22] =	ssyncadd.s32 s5;
	_ =	sdelay $0x1  }
0xa2: {  	s23 =	simm.s32 $0x1B8B  }
0xa3: {  	_ =	swait.ge [sflag:s23], $0x1  }
0xa4: {  	[sflag:s23] =	ssyncset.done $0x0  }
0xa5: {  	s25 =	simm.s32 $0x1B8E;
	s24 =	sld [smem:$0x3FFE];
	[sflag:s23] =	ssyncadd.s32 $0xFFFFFFFF  }
0xa6: {  	s26 =	simm.s32 $execute0_lowered;
	[smem:$0x3FD2] =	sst s25  }
0xa7: {  	s6 =	sshll.u32 s26, $0x1;
	_ =	strace $0x80000046;
	[dreg:$0x1] =	wrdreg $0xFFFFFFFF  }
0xa8: {  	s28 =	simm.s32 $_size_execute0_lowered;
	s4 =	sadd.s32 s4, s6;
	[dreg:$0x0] =	wrdreg $0x0  }
0xa9: {  	s6 =	sshll.u32 s28, $0x1;
	[dreg:$0x2] =	wrdreg s4  }
0xaa: {  	[dreg:$0x3] =	wrdreg s6  }
0xab: {  	[dreg:$0x4] =	wrdreg $0xC0  }
0xac: {  	_ =	task [dreg:s8], $0x5FFFF  }
0xad: {  	[dreg:$0x1] =	wrdreg $0xFFFFFFFF  }
0xae: {  	[dreg:$0x0] =	wrdreg $0x60  }
0xaf: {  	[dreg:$0x2] =	wrdreg s2  }
0xb0: {  	[dreg:$0x3] =	wrdreg s24  }
0xb1: {  	[dreg:$0x4] =	wrdreg s18  }
0xb2: {  	[dreg:$0x5] =	wrdreg $0x9  }
0xb3: {  	_ =	task.clear_ibuf [dreg:s8], $0x6FFFF;
	_ =	strace $0x90000046  }
0xb4: {  	s29 =	simm.s32 $0x9;
	_ =	strace $0x80000048  }
0xb5: {  	_ =	swait.ge [sflag:s29], $0x1  }
0xb6: {  	[sflag:s29] =	ssyncadd.s32 $0xFFFFFFFF  }
0xb7: {  	_ =	strace $0x90000048  }
0xb8: {  	_ =	sfence  }
0xb9: {  	s30 =	sld [smem:$0x0];
	_ =	sdelay $0x2  }
0xba: {  	s31 =	sshll.u32 s1, $0xD;
	s1 =	sshrl.u32 s1, $0x2  }
0xbb: {  	s3 =	sand.u32 $0x4000, s31;
	s1 =	sadd.s32 s1, s30  }
0xbc: {  	s0 =	sor.u32 s3, s0;
	s1 =	sshll.u32 s1, $0x11  }
0xbd: {  	s0 =	sor.u32 s1, s0  }
0xbe: {  	s0 =	sadd.s32 $0x8F2B, s0  }
0xbf: {  	[sflag:s0] =	ssyncadd.remote.s32 $0x1  }
0xc0: {  	_ =	sfence.sel $0xFFFF  }
0xc1: {  	[dreg:$0x0] =	wrdreg $0xFFFFFFFF;
	(pc) =	sbr.abs _section_cstart, $3  }
0xc2: {  	[dreg:$0x1] =	wrdreg $0xFFFFFFFF  }
0xc3: {  	_ =	task.clear_ibuf [dreg:s8], $0x2FFFF;
	_ =	strace $0x9FFFFFFF  }
0xc4: {  	(tm) =	ssettm $0x7FFFFFFF  }
0xc5: {  	_ =	shalt  }
tec
execute0_lowered:
.L_overlay_start_1:
0x0: {  	(tag) =	ssettag $0x1  }
0x1: {  	s0 =	rddreg [dreg:$0x0];
	s1 =	srdreg.scid  }
0x2: {  	s10 =	stileid.u32;
	s2 =	rddreg [dreg:$0x1]  }
0x3: {  	s6 =	rddreg [dreg:$0x2];
	s25 =	simm.s32 $0x0;
	s11 =	simm.s32 $0x190  }
0x4: {  	s12 =	simm.s32 $0x6400;
	s13 =	simm.s32 $0xC800;
	s14 =	simm.s32 $0x12C00  }
0x5: {  	s15 =	simm.s32 $0x1;
	s16 =	simm.s32 $0x40;
	s17 =	simm.s32 $0x80  }
0x6: {  	s18 =	simm.s32 $0x19000;
	s19 =	simm.s32 $0x2;
	s20 =	simm.s32 $0x3  }
0x7: {  	s21 =	simm.s32 $0x4;
	s1 =	sand.u32 $0x1, s1;
	s7 =	smul.u32 $0xC800, s10  }
0x8: {  	s3 =	sshll.u32 s10, $0x1;
	[smem:$0x7FF] =	sst s25;
	s29 =	smul.u32 $0xC8000, s10  }
0x9: {  	s25 =	simm.s32 $0x8;
	s3 =	sor.u32 s1, s3;
	s9 =	smul.u32 $0x6400, s1  }
0xa: {  	s5 =	ssub.s32 $0x2, s1;
	_ =	strace $0x80000047;
	s1 =	smul.u32 $0x64000, s1  }
0xb: {  	s4 =	smul.u32 $0x6400, s3;
	s8 =	sshrl.u32 s5, $0x1;
	s3 =	sadd.s32 $0xF42800, s2  }
0xc: {  	s31 =	sadd.s32 s29, s6;
	s26 =	ssub.s32 s5, s8;
	s28 =	sadd.s32 s9, s7  }
0xd: {  	s7 =	sadd.s32 s1, s31;
	s4 =	sshrl.u32 s4, $0x3;
	s2 =	smax.u32 s26, $0x1  }
0xe: {  	s30 =	sshll.u32 s28, $0x4;
	s0 =	sadd.s32 s0, s4;
	[dreg:$0x5] =	wrdreg s2  }
0xf: {  	s26 =	simm.s32 $0x0;
	[dreg:$0x4] =	wrdreg s0;
	s0 =	sadd.s32 s30, s6  }
0x10: {  	s6 =	sadd.s32 $0x1900, s0;
	s2 =	sadd.s32 $0x4B00, s0;
	s9 =	sadd.s32 $0x3200, s0  }
.LBB2_1:
0x11: {  	s0 =	simm.s32 $0x0;
	s1 =	rddreg [dreg:$0x4];
	s22 =	simm.s32 $0x9  }
0x12: {  	[tilespmem:s0], [sflag:$0x9] =	stream.linear.gather [hbm4b:s1+s0], $0x6400, $0x38;
	[tilespmem:$0x1F400] =	vst v63  }
0x13: {  	_ =	swait.ge [sflag:s22], $0x6400  }
0x14: {  	[sflag:s22] =	ssyncset.done $0x0  }
0x15: {  	p0 =	por $0x1, $0x1;
	[sflag:s22] =	ssyncadd.s32 $0xFFFF9C00  }
0x16: {  	[tilespmem:s12], [sflag:$0x1] =	stream.indirect.gather [hbm4b:s3+s11], $0x40, s0, s11, $0xb8;
	[tilespmem:$0x1F400] =	vst v63  }
0x17: {  	s0 =	simm.s32 @!p0 $0x7  }
0x18: {  	[tilespmem:s13], [sflag:$0x2] =	stream.indirect.gather [hbm4b:s3+s11], $0x40, s11, s11, $0xb8;
	[tilespmem:$0x1F400] =	vst v63  }
0x19: {  	_ =	swait.ge @!p0 [sflag:s0], $0x6400  }
0x1a: {  	[sflag:s0] =	ssyncset.done @!p0 $0x0  }
0x1b: {  	s23 =	simm.s32 $0x320;
	[sflag:s0] =	ssyncadd.s32 @!p0 $0xFFFF9C00  }
0x1c: {  	[tilespmem:s14], [sflag:$0x3] =	stream.indirect.gather [hbm4b:s3+s11], $0x40, s23, s11, $0xb8;
	[tilespmem:$0x1F400] =	vst v63  }
0x1d: {  	_ =	swait.ge [sflag:s15], $0x6400  }
0x1e: {  	[sflag:s15] =	ssyncset.done $0x0  }
0x1f: {  	s0 =	simm.s32 @!p0 $0x8;
	[sflag:s15] =	ssyncadd.s32 $0xFFFF9C00  }
0x20: {  	[hbm4b:s7+s16] =	stream.strided.scatter [tilespmem:s12], [sflag:$0x5], $0x6400, s17, s16, $0x38;
	[tilespmem:$0x1F400] =	vst v63  }
0x21: {  	_ =	swait.ge @!p0 [sflag:s0], $0x6400  }
0x22: {  	[sflag:s0] =	ssyncset.done @!p0 $0x0  }
0x23: {  	s24 =	simm.s32 $0x4B0;
	[sflag:s0] =	ssyncadd.s32 @!p0 $0xFFFF9C00  }
0x24: {  	[tilespmem:s18], [sflag:$0x4] =	stream.indirect.gather [hbm4b:s3+s11], $0x40, s24, s11, $0xb8;
	[tilespmem:$0x1F400] =	vst v63  }
0x25: {  	_ =	swait.ge [sflag:s19], $0x6400  }
0x26: {  	p0 =	por $0x0, $0x0;
	[sflag:s19] =	ssyncset.done $0x0  }
0x27: {  	s0 =	simm.s32 @!p0 $0x5;
	[sflag:s19] =	ssyncadd.s32 $0xFFFF9C00  }
0x28: {  	[hbm4b:s6+s16] =	stream.strided.scatter [tilespmem:s13], [sflag:$0x6], $0x6400, s17, s16, $0x38;
	[tilespmem:$0x1F400] =	vst v63  }
0x29: {  	_ =	swait.ge @!p0 [sflag:s0], $0x6400  }
0x2a: {  	s1 =	simm.s32 @!p0 $0x640;
	[sflag:s0] =	ssyncset.done @!p0 $0x0  }
0x2b: {  	s8 =	simm.s32 @!p0 $0x190;
	s28 =	simm.s32 @!p0 $0x6400;
	[sflag:s0] =	ssyncadd.s32 @!p0 $0xFFFF9C00  }
0x2c: {  	[tilespmem:s28], [sflag:$0x1] =	stream.indirect.gather @!p0 [hbm4b:s3+s8], $0x40, s1, s8, $0xb8;
	[tilespmem:$0x1F400] =	vst v63  }
0x2d: {  	_ =	swait.ge [sflag:s20], $0x6400  }
0x2e: {  	[sflag:s20] =	ssyncset.done $0x0  }
0x2f: {  	s1 =	simm.s32 @!p0 $0x6;
	[sflag:s20] =	ssyncadd.s32 $0xFFFF9C00  }
0x30: {  	[hbm4b:s9+s16] =	stream.strided.scatter [tilespmem:s14], [sflag:$0x7], $0x6400, s17, s16, $0x38;
	[tilespmem:$0x1F400] =	vst v63  }
0x31: {  	s30 =	simm.s32 $0x1900;
	_ =	swait.ge @!p0 [sflag:s1], $0x6400  }
0x32: {  	p1 =	por $0x0, $0x0;
	s31 =	sadd.s32 $0x6400, s6;
	[sflag:s1] =	ssyncset.done @!p0 $0x0  }
0x33: {  	s29 =	simm.s32 @!p0 $0xC800;
	s28 =	simm.s32 @!p0 $0x7D0;
	[sflag:s1] =	ssyncadd.s32 @!p0 $0xFFFF9C00  }
0x34: {  	[tilespmem:s29], [sflag:$0x2] =	stream.indirect.gather @!p0 [hbm4b:s3+s8], $0x40, s28, s8, $0xb8;
	[tilespmem:$0x1F400] =	vst v63  }
0x35: {  	s0 =	simm.s32 $0x3200;
	s1 =	sadd.s32 $0x6400, s7;
	s29 =	sadd.s32 $0x6400, s9  }
0x36: {  	s28 =	sadd.s32 $0x6400, s2;
	s8 =	smov.u32 s2;
	_ =	swait.ge [sflag:s21], $0x6400  }
.LBB2_2:
0x37: {  	s4 =	simm.s32 @!p1 $0x7  }
0x38: {  	[sflag:s21] =	ssyncset.done $0x0;
	s5 =	smov.u32 s0;
	s0 =	sadd.s32 $0x1900, s0  }
0x39: {  	p0 =	sne.s32 s0, $0x19000;
	[sflag:s21] =	ssyncadd.s32 $0xFFFF9C00  }
0x3a: {  	[hbm4b:s8+s16] =	stream.strided.scatter [tilespmem:s18], [sflag:$0x8], $0x6400, s17, s16, $0x38;
	[tilespmem:$0x1F400] =	vst v63  }
0x3b: {  	s10 =	sshra.s32 s30, $0x2;
	s8 =	smov.u32 s28;
	_ =	swait.ge @!p1 [sflag:s4], $0x6400  }
0x3c: {  	s22 =	sadd.s32 $0x320, s10;
	[sflag:s4] =	ssyncset.done @!p1 $0x0  }
0x3d: {  	[sflag:s4] =	ssyncadd.s32 @!p1 $0xFFFF9C00  }
0x3e: {  	[tilespmem:s14], [sflag:$0x3] =	stream.indirect.gather [hbm4b:s3+s11], $0x40, s22, s11, $0xb8;
	[tilespmem:$0x1F400] =	vst v63  }
0x3f: {  	_ =	swait.ge [sflag:s15], $0x6400  }
0x40: {  	s4 =	simm.s32 @!p1 $0x8;
	[sflag:s15] =	ssyncset.done $0x0  }
0x41: {  	[sflag:s15] =	ssyncadd.s32 $0xFFFF9C00  }
0x42: {  	[hbm4b:s1+s16] =	stream.strided.scatter [tilespmem:s12], [sflag:$0x5], $0x6400, s17, s16, $0x38;
	[tilespmem:$0x1F400] =	vst v63  }
0x43: {  	_ =	swait.ge @!p1 [sflag:s4], $0x6400  }
0x44: {  	s10 =	sadd.s32 $0x4B0, s10;
	[sflag:s4] =	ssyncset.done @!p1 $0x0  }
0x45: {  	[sflag:s4] =	ssyncadd.s32 @!p1 $0xFFFF9C00  }
0x46: {  	[tilespmem:s18], [sflag:$0x4] =	stream.indirect.gather [hbm4b:s3+s11], $0x40, s10, s11, $0xb8;
	[tilespmem:$0x1F400] =	vst v63  }
0x47: {  	_ =	swait.ge [sflag:s19], $0x6400  }
0x48: {  	p1 =	seq.s32 s30, $0x17700;
	[sflag:s19] =	ssyncset.done $0x0  }
0x49: {  	s4 =	simm.s32 @!p1 $0x5;
	s10 =	sshra.s32 @!p1 s30, $0x2;
	[sflag:s19] =	ssyncadd.s32 $0xFFFF9C00  }
0x4a: {  	[hbm4b:s31+s16] =	stream.strided.scatter [tilespmem:s13], [sflag:$0x6], $0x6400, s17, s16, $0x38;
	[tilespmem:$0x1F400] =	vst v63  }
0x4b: {  	s22 =	sadd.s32 @!p1 $0x640, s10;
	s10 =	sadd.s32 @!p1 $0x7D0, s10;
	_ =	swait.ge @!p1 [sflag:s4], $0x6400  }
0x4c: {  	s23 =	simm.s32 @!p1 $0x190;
	s24 =	simm.s32 @!p1 $0x6400;
	[sflag:s4] =	ssyncset.done @!p1 $0x0  }
0x4d: {  	s30 =	smov.u32 s5;
	[sflag:s4] =	ssyncadd.s32 @!p1 $0xFFFF9C00  }
0x4e: {  	[tilespmem:s24], [sflag:$0x1] =	stream.indirect.gather @!p1 [hbm4b:s3+s23], $0x40, s22, s23, $0xb8;
	[tilespmem:$0x1F400] =	vst v63  }
0x4f: {  	_ =	swait.ge [sflag:s20], $0x6400  }
0x50: {  	[sflag:s20] =	ssyncset.done $0x0  }
0x51: {  	s4 =	simm.s32 @!p1 $0x6;
	[sflag:s20] =	ssyncadd.s32 $0xFFFF9C00  }
0x52: {  	[hbm4b:s29+s16] =	stream.strided.scatter [tilespmem:s14], [sflag:$0x7], $0x6400, s17, s16, $0x38;
	[tilespmem:$0x1F400] =	vst v63  }
.Ltmp0:
0x53: {  	_ =	swait.ge @!p1 [sflag:s4], $0x6400;
	(pc) =	sbr.rel @p0 .LBB2_2-.Ltmp0, $4  }
0x54: {  	s5 =	simm.s32 @!p1 $0xC800;
	s29 =	sadd.s32 $0x6400, s29;
	[sflag:s4] =	ssyncset.done @!p1 $0x0  }
0x55: {  	s28 =	sadd.s32 $0x6400, s28;
	s1 =	sadd.s32 $0x6400, s1;
	[sflag:s4] =	ssyncadd.s32 @!p1 $0xFFFF9C00  }
0x56: {  	[tilespmem:s5], [sflag:$0x2] =	stream.indirect.gather @!p1 [hbm4b:s3+s23], $0x40, s10, s23, $0xb8;
	[tilespmem:$0x1F400] =	vst v63  }
0x57: {  	s31 =	sadd.s32 $0x6400, s31;
	p1 =	seq.s32 s30, $0x0;
	_ =	swait.ge [sflag:s21], $0x6400  }
0x58: {  	[sflag:s21] =	ssyncset.done $0x0  }
0x59: {  	s0 =	simm.s32 @!p1 $0x7;
	[sflag:s21] =	ssyncadd.s32 $0xFFFF9C00  }
0x5a: {  	[hbm4b:s8+s16] =	stream.strided.scatter [tilespmem:s18], [sflag:$0x8], $0x6400, s17, s16, $0x38;
	[tilespmem:$0x1F400] =	vst v63  }
0x5b: {  	_ =	swait.ge @!p1 [sflag:s0], $0x6400  }
0x5c: {  	s4 =	sshra.s32 s30, $0x2;
	[sflag:s0] =	ssyncset.done @!p1 $0x0  }
0x5d: {  	s5 =	sadd.s32 $0x320, s4;
	[sflag:s0] =	ssyncadd.s32 @!p1 $0xFFFF9C00  }
0x5e: {  	[tilespmem:s14], [sflag:$0x3] =	stream.indirect.gather [hbm4b:s3+s11], $0x40, s5, s11, $0xb8;
	[tilespmem:$0x1F400] =	vst v63  }
0x5f: {  	_ =	swait.ge [sflag:s15], $0x6400  }
0x60: {  	[sflag:s15] =	ssyncset.done $0x0  }
0x61: {  	s0 =	simm.s32 @!p1 $0x8;
	[sflag:s15] =	ssyncadd.s32 $0xFFFF9C00  }
0x62: {  	[hbm4b:s1+s16] =	stream.strided.scatter [tilespmem:s12], [sflag:$0x5], $0x6400, s17, s16, $0x38;
	[tilespmem:$0x1F400] =	vst v63  }
0x63: {  	_ =	swait.ge @!p1 [sflag:s0], $0x6400  }
0x64: {  	[sflag:s0] =	ssyncset.done @!p1 $0x0  }
0x65: {  	s24 =	sadd.s32 $0x4B0, s4;
	[sflag:s0] =	ssyncadd.s32 @!p1 $0xFFFF9C00  }
0x66: {  	[tilespmem:s18], [sflag:$0x4] =	stream.indirect.gather [hbm4b:s3+s11], $0x40, s24, s11, $0xb8;
	[tilespmem:$0x1F400] =	vst v63  }
0x67: {  	_ =	swait.ge [sflag:s19], $0x6400  }
0x68: {  	p0 =	seq.s32 s30, $0x17700;
	[sflag:s19] =	ssyncset.done $0x0  }
0x69: {  	s0 =	simm.s32 @!p0 $0x5;
	[sflag:s19] =	ssyncadd.s32 $0xFFFF9C00  }
0x6a: {  	[hbm4b:s31+s16] =	stream.strided.scatter [tilespmem:s13], [sflag:$0x6], $0x6400, s17, s16, $0x38;
	[tilespmem:$0x1F400] =	vst v63  }
0x6b: {  	_ =	swait.ge @!p0 [sflag:s0], $0x6400  }
0x6c: {  	s8 =	simm.s32 @!p0 $0x6400;
	s1 =	sshra.s32 @!p0 s30, $0x2;
	[sflag:s0] =	ssyncset.done @!p0 $0x0  }
0x6d: {  	s5 =	simm.s32 @!p0 $0x190;
	s4 =	sadd.s32 @!p0 $0x640, s1;
	[sflag:s0] =	ssyncadd.s32 @!p0 $0xFFFF9C00  }
0x6e: {  	[tilespmem:s8], [sflag:$0x1] =	stream.indirect.gather @!p0 [hbm4b:s3+s5], $0x40, s4, s5, $0xb8;
	[tilespmem:$0x1F400] =	vst v63  }
0x6f: {  	_ =	swait.ge [sflag:s20], $0x6400  }
0x70: {  	[sflag:s20] =	ssyncset.done $0x0  }
0x71: {  	s0 =	simm.s32 @!p0 $0x6;
	[sflag:s20] =	ssyncadd.s32 $0xFFFF9C00  }
0x72: {  	[hbm4b:s29+s16] =	stream.strided.scatter [tilespmem:s14], [sflag:$0x7], $0x6400, s17, s16, $0x38;
	[tilespmem:$0x1F400] =	vst v63  }
0x73: {  	_ =	swait.ge @!p0 [sflag:s0], $0x6400  }
0x74: {  	[sflag:s0] =	ssyncset.done @!p0 $0x0  }
0x75: {  	s1 =	sadd.s32 @!p0 $0x7D0, s1;
	s4 =	simm.s32 @!p0 $0xC800;
	[sflag:s0] =	ssyncadd.s32 @!p0 $0xFFFF9C00  }
0x76: {  	[tilespmem:s4], [sflag:$0x2] =	stream.indirect.gather @!p0 [hbm4b:s3+s5], $0x40, s1, s5, $0xb8;
	[tilespmem:$0x1F400] =	vst v63  }
0x77: {  	_ =	swait.ge [sflag:s21], $0x6400  }
0x78: {  	[sflag:s21] =	ssyncset.done $0x0  }
0x79: {  	[sflag:s21] =	ssyncadd.s32 $0xFFFF9C00  }
0x7a: {  	[hbm4b:s28+s16] =	stream.strided.scatter [tilespmem:s18], [sflag:$0x8], $0x6400, s17, s16, $0x38;
	[tilespmem:$0x1F400] =	vst v63  }
0x7b: {  	s28 =	simm.s32 $0x5  }
0x7c: {  	_ =	swait.ge [sflag:s28], $0x6400  }
0x7d: {  	[sflag:s28] =	ssyncset.done $0x0  }
0x7e: {  	s29 =	simm.s32 $0x6;
	[sflag:s28] =	ssyncadd.s32 $0xFFFF9C00  }
0x7f: {  	_ =	swait.ge [sflag:s29], $0x6400  }
0x80: {  	[sflag:s29] =	ssyncset.done $0x0  }
0x81: {  	s30 =	simm.s32 $0x7;
	[sflag:s29] =	ssyncadd.s32 $0xFFFF9C00  }
0x82: {  	_ =	swait.ge [sflag:s30], $0x6400  }
0x83: {  	[sflag:s30] =	ssyncset.done $0x0  }
0x84: {  	[sflag:s30] =	ssyncadd.s32 $0xFFFF9C00  }
0x85: {  	_ =	swait.ge [sflag:s25], $0x6400  }
0x86: {  	s26 =	sadd.s32 $0x1, s26;
	s31 =	rddreg [dreg:$0x5]  }
0x87: {  	p0 =	sne.s32 s26, s31  }
.Ltmp1:
0x88: {  	_ = 	snop;
	(pc) =	sbr.rel @p0 .LBB2_1-.Ltmp1, $3  }
0x89: {  	_ =	sdelay $0x1  }
0x8a: {  	[sflag:s25] =	ssyncset.done $0x0  }
0x8b: {  	[sflag:s25] =	ssyncadd.s32 $0xFFFF9C00  }
0x8c: {  	_ =	sfence.sel $0x180000  }
0x8d: {  	[bflag:$0x0] =	sbarrier.arrive $0xFFFF  }
0x8e: {  	_ =	strace $0x90000047  }
0x8f: {  	s0 =	stileid.u32;
	[bflag:$0x2] =	sbarrier.arrive $0xFFFF  }
0x90: {  	p0 =	sne.s32 s0, $0x0;
	s0 =	rddreg [dreg:$0x3]  }
0x91: {  	s0 =	sadd.s32 @!p0 $0x100000, s0  }
0x92: {  	[sflag:s0] =	ssyncadd.tile.s32 @!p0 $0x1;
	_ =	shalt  }
.Lfunc_end2:
_tile_overlayer_lowered:
.L_overlay_start_2:
0x93: {  	(tag) =	ssettag $0x2  }
0x94: {  	s0 =	rddreg [dreg:$0x0];
	s2 =	stileid.u32  }
0x95: {  	s1 =	rddreg [dreg:$0x1];
	p0 =	sne.s32 s2, $0x0  }
0x96: {  	s3 =	rddreg [dreg:$0x2];
	[bflag:$0x3] =	sbarrier.arrive $0xFFFF;
	s2 =	simm.s32 @!p0 $0x1C09  }
0x97: {  	[timem:s3], [sflag:s2] =	dma.local @!p0 [hbm:s0], s1  }
0x98: {  	s0 =	simm.s32 @!p0 $0x9  }
0x99: {  	_ =	swait.ge @!p0 [sflag:s0], s1  }
0x9a: {  	s1 =	ssub.s32 @!p0 $0x0, s1;
	[sflag:s0] =	ssyncset.done @!p0 $0x0  }
0x9b: {  	[sflag:s0] =	ssyncadd.s32 @!p0 s1  }
0x9c: {  	[bflag:$0x3] =	sbarrier.arrive $0xFFFF  }
0x9d: {  	_ =	shalt  }

</sc_bundles>
